<compile_context>
chip_gen: v7x
topology: tpu7x:2x2x1
jax: 0.10.2.dev20260603
libtpu: 0.0.44.dev20260713+nightly
codegen_flags: <defaults>
</compile_context>

<pallas_src>
import functools

import jax
import jax.numpy as jnp
from jax import lax
from jax.experimental import pallas as pl
from jax.experimental.pallas import tpu as pltpu
from jax.experimental.pallas import tpu_sc as plsc

_LN_EPS = 1e-5


def _fuse_body(ct_ref, cw_ref, ft_ref, fw_ref, g_ref, b_ref,
               loc_ref, cid_ref, fid_ref, out_ref, pc_ref, pf_ref):
    r = loc_ref.shape[0]
    nc = ct_ref.shape[0]
    nf = ft_ref.shape[0]

    @pl.when(pl.program_id(0) == 0)
    def _():
        pc_ref[...] = (jnp.dot(ct_ref[...], cw_ref[...],
                               preferred_element_type=jnp.float32)
                       * 0.3).astype(jnp.bfloat16)
        pf_ref[...] = (jnp.dot(ft_ref[...], fw_ref[...],
                               preferred_element_type=jnp.float32)
                       * 0.2).astype(jnp.bfloat16)

    pc = pc_ref[...]
    pf = pf_ref[...]
    cid = cid_ref[0].astype(jnp.int16)
    fid = fid_ref[0].astype(jnp.int16)
    one = jnp.bfloat16(1.0)
    zero = jnp.bfloat16(0.0)
    oht_c = jnp.where(cid == lax.broadcasted_iota(jnp.int16, (nc, r), 0),
                      one, zero)
    oht_f = jnp.where(fid == lax.broadcasted_iota(jnp.int16, (nf, r), 0),
                      one, zero)
    emb_c = lax.dot_general(oht_c, pc, (((0,), (0,)), ((), ())),
                            preferred_element_type=jnp.float32)
    emb_f = lax.dot_general(oht_f, pf, (((0,), (0,)), ((), ())),
                            preferred_element_type=jnp.float32)
    x = loc_ref[...] + emb_c + emb_f
    mean = jnp.mean(x, axis=-1, keepdims=True)
    xc = x - mean
    var = jnp.mean(xc * xc, axis=-1, keepdims=True)
    out_ref[...] = xc * lax.rsqrt(var + _LN_EPS) * g_ref[...] + b_ref[...]


def _build_fused_table(loc_table, ct, cw_t, ft, fw_t, gamma2, beta2,
                       cid3, fid3, block_rows):
    n, d = loc_table.shape
    nb = n // block_rows
    nc = ct.shape[0]
    nf = ft.shape[0]
    return pl.pallas_call(
        _fuse_body,
        grid=(nb,),
        in_specs=[
            pl.BlockSpec((nc, ct.shape[1]), lambda i: (0, 0)),
            pl.BlockSpec((cw_t.shape[0], d), lambda i: (0, 0)),
            pl.BlockSpec((nf, ft.shape[1]), lambda i: (0, 0)),
            pl.BlockSpec((fw_t.shape[0], d), lambda i: (0, 0)),
            pl.BlockSpec((1, d), lambda i: (0, 0)),
            pl.BlockSpec((1, d), lambda i: (0, 0)),
            pl.BlockSpec((block_rows, d), lambda i: (i, 0)),
            pl.BlockSpec((1, 1, block_rows), lambda i: (i, 0, 0)),
            pl.BlockSpec((1, 1, block_rows), lambda i: (i, 0, 0)),
        ],
        out_specs=pl.BlockSpec((block_rows, d), lambda i: (i, 0)),
        out_shape=jax.ShapeDtypeStruct((n, d), jnp.float32),
        scratch_shapes=[pltpu.VMEM((nc, d), jnp.bfloat16),
                        pltpu.VMEM((nf, d), jnp.bfloat16)],
    )(ct, cw_t, ft, fw_t, gamma2, beta2, loc_table, cid3, fid3)


_NC, _NS, _LANES = 2, 16, 16
_NW = _NC * _NS
_CHUNK = 128


def _make_gather(n_tokens, d):
    per_w = n_tokens // _NW
    n_chunks = per_w // _CHUNK
    mesh = plsc.VectorSubcoreMesh(core_axis_name="c", subcore_axis_name="s",
                                  num_cores=_NC, num_subcores=_NS)

    nbuf = 5
    assert n_chunks % nbuf == 0
    n_grp = n_chunks // nbuf

    @functools.partial(
        pl.kernel,
        out_type=jax.ShapeDtypeStruct((n_tokens, d), jnp.float32),
        mesh=mesh,
        scratch_types=[
            pltpu.VMEM((per_w,), jnp.int32),
            [pltpu.VMEM((_CHUNK, d), jnp.float32) for _ in range(nbuf)],
            [pltpu.SemaphoreType.DMA for _ in range(nbuf)],
            [pltpu.SemaphoreType.DMA for _ in range(nbuf)],
        ],
        compiler_params=pltpu.CompilerParams(use_tc_tiling_on_sc=True),
    )
    def gather_k(table_hbm, idx_hbm, out_hbm, idx_v, rows, gsem, osem):
        wid = lax.axis_index("s") * _NC + lax.axis_index("c")
        base0 = wid * per_w
        pltpu.sync_copy(idx_hbm.at[pl.ds(base0, per_w)], idx_v)

        def gather(j, k):
            pltpu.async_copy(
                table_hbm.at[idx_v.at[pl.ds(j * _CHUNK, _CHUNK)]],
                rows[k], gsem[k])

        def gwait(k):
            pltpu.make_async_copy(table_hbm.at[idx_v.at[pl.ds(0, _CHUNK)]],
                                  rows[k], gsem[k]).wait()

        def scatter(j, k):
            pltpu.async_copy(rows[k],
                             out_hbm.at[pl.ds(base0 + j * _CHUNK, _CHUNK)],
                             osem[k])

        def owait(k):
            pltpu.make_async_copy(table_hbm.at[idx_v.at[pl.ds(0, _CHUNK)]],
                                  rows[k], osem[k]).wait()

        for k in range(nbuf):
            gather(k, k)

        def body(jj, carry):
            j0 = jj * nbuf
            for k in range(nbuf):
                gwait(k)
                scatter(j0 + k, k)
            for k in range(nbuf):
                owait(k)

                @pl.when(jj < n_grp - 1)
                def _(k=k):
                    gather(j0 + nbuf + k, k)

            return carry

        lax.fori_loop(0, n_grp, body, 0)

    return gather_k


def kernel(loc_ids, loc_table, cluster_table, cluster_proj_w, freq_table,
           freq_proj_w, ln_gamma, ln_beta, loc_to_cluster, loc_freq_bucket):
    b, s = loc_ids.shape
    n, d = loc_table.shape
    n_tokens = b * s

    ct = cluster_table
    ft = freq_table
    cw_t = cluster_proj_w.T
    fw_t = freq_proj_w.T
    gamma2 = ln_gamma.reshape(1, d)
    beta2 = ln_beta.reshape(1, d)

    block_rows = 4000
    nb = n // block_rows
    cid3 = loc_to_cluster.reshape(nb, 1, block_rows)
    fid3 = loc_freq_bucket.reshape(nb, 1, block_rows)

    fused = _build_fused_table(loc_table, ct, cw_t, ft, fw_t, gamma2, beta2,
                               cid3, fid3, block_rows)

    idx_sm = loc_ids.T.reshape(-1).astype(jnp.int32)
    out_flat = _make_gather(n_tokens, d)(fused, idx_sm)
    return out_flat.reshape(s, b, d).transpose(1, 0, 2)

# --- scband reference (transcript-rebuilt; emitter-appended) ---
"""Pipeline reference for scband-hierarchical-location-embedding-29626684408526 (READ-ONLY COPY).

The authoritative reference and input builder live on the scoring server;
editing this copy changes nothing except your own understanding.
"""

import jax, jax.numpy as jnp
import numpy as np

NUM_LOCATIONS = 100000
D_MODEL = 128
NUM_CLUSTERS = 50
NUM_FREQ = 10
D_SMALL = D_MODEL // 4
BATCH = 4096
SEQ = 50


def setup_inputs(seed: int = 0) -> dict:
    key = jax.random.key(seed)
    ks = jax.random.split(key, 10)
    loc_ids = jax.random.randint(ks[0], (BATCH, SEQ), 0, NUM_LOCATIONS, dtype=jnp.int64 if jax.config.jax_enable_x64 else jnp.int32)
    loc_table = jax.random.normal(ks[1], (NUM_LOCATIONS, D_MODEL), dtype=jnp.float32)
    cluster_table = jax.random.normal(ks[2], (NUM_CLUSTERS, D_SMALL), dtype=jnp.float32)
    cluster_proj_w = jax.random.normal(ks[3], (D_MODEL, D_SMALL), dtype=jnp.float32) * (1.0 / np.sqrt(D_SMALL))
    freq_table = jax.random.normal(ks[4], (NUM_FREQ, D_SMALL), dtype=jnp.float32)
    freq_proj_w = jax.random.normal(ks[5], (D_MODEL, D_SMALL), dtype=jnp.float32) * (1.0 / np.sqrt(D_SMALL))
    ln_gamma = jnp.ones((D_MODEL,), dtype=jnp.float32)
    ln_beta = jnp.zeros((D_MODEL,), dtype=jnp.float32)
    loc_to_cluster = jax.random.randint(ks[6], (NUM_LOCATIONS,), 0, NUM_CLUSTERS, dtype=jnp.int32)
    loc_freq_bucket = jax.random.randint(ks[7], (NUM_LOCATIONS,), 0, NUM_FREQ, dtype=jnp.int32)
    return {
        'loc_ids': loc_ids,
        'loc_table': loc_table,
        'cluster_table': cluster_table,
        'cluster_proj_w': cluster_proj_w,
        'freq_table': freq_table,
        'freq_proj_w': freq_proj_w,
        'ln_gamma': ln_gamma,
        'ln_beta': ln_beta,
        'loc_to_cluster': loc_to_cluster,
        'loc_freq_bucket': loc_freq_bucket,
    }


def _layer_norm(x, gamma, beta, eps=1e-5):
    mean = jnp.mean(x, axis=-1, keepdims=True)
    var = jnp.mean(jnp.square(x - mean), axis=-1, keepdims=True)
    normed = (x - mean) / jnp.sqrt(var + eps)
    return normed * gamma + beta


def reference(loc_ids, loc_table, cluster_table, cluster_proj_w, freq_table, freq_proj_w, ln_gamma, ln_beta, loc_to_cluster, loc_freq_bucket):
    # location embedding lookup
    loc_emb = jnp.take(loc_table, loc_ids, axis=0)  # (B, S, d_model)
    # cluster embedding: double gather + projection
    cluster_ids = jnp.take(loc_to_cluster, loc_ids, axis=0)  # (B, S)
    cluster_emb = jnp.take(cluster_table, cluster_ids, axis=0)  # (B, S, d_model//4)
    cluster_emb = jnp.einsum('bsk,dk->bsd', cluster_emb, cluster_proj_w)
    # frequency embedding: double gather + projection
    freq_bucket = jnp.take(loc_freq_bucket, loc_ids, axis=0)  # (B, S)
    freq_emb = jnp.take(freq_table, freq_bucket, axis=0)  # (B, S, d_model//4)
    freq_emb = jnp.einsum('bsk,dk->bsd', freq_emb, freq_proj_w)
    combined = loc_emb + 0.3 * cluster_emb + 0.2 * freq_emb
    return _layer_norm(combined, ln_gamma, ln_beta)

if __name__ == "__main__":
    import jax
    _d = setup_inputs()
    print(jax.jit(kernel)(*tuple(_d.values())))

</pallas_src>

<mosaic_0001>
#map = affine_map<(d0, d1) -> (0, 0)>
#map1 = affine_map<(d0, d1) -> (0)>
module attributes {stable_mosaic.version = 14 : i64} {
  func.func @gather_k(%arg0: i32, %arg1: i32, %arg2: memref<100000x128xf32, #tpu.memory_space<hbm>>, %arg3: memref<204800xi32, #tpu.memory_space<hbm>>, %arg4: memref<204800x128xf32, #tpu.memory_space<hbm>>, %arg5: memref<6400xi32, #tpu.memory_space<vmem>>, %arg6: memref<128x128xf32, #tpu.memory_space<vmem>>, %arg7: memref<128x128xf32, #tpu.memory_space<vmem>>, %arg8: memref<128x128xf32, #tpu.memory_space<vmem>>, %arg9: memref<128x128xf32, #tpu.memory_space<vmem>>, %arg10: memref<128x128xf32, #tpu.memory_space<vmem>>, %arg11: memref<!tpu.dma_semaphore, #tpu.memory_space<semaphore_mem>>, %arg12: memref<!tpu.dma_semaphore, #tpu.memory_space<semaphore_mem>>, %arg13: memref<!tpu.dma_semaphore, #tpu.memory_space<semaphore_mem>>, %arg14: memref<!tpu.dma_semaphore, #tpu.memory_space<semaphore_mem>>, %arg15: memref<!tpu.dma_semaphore, #tpu.memory_space<semaphore_mem>>, %arg16: memref<!tpu.dma_semaphore, #tpu.memory_space<semaphore_mem>>, %arg17: memref<!tpu.dma_semaphore, #tpu.memory_space<semaphore_mem>>, %arg18: memref<!tpu.dma_semaphore, #tpu.memory_space<semaphore_mem>>, %arg19: memref<!tpu.dma_semaphore, #tpu.memory_space<semaphore_mem>>, %arg20: memref<!tpu.dma_semaphore, #tpu.memory_space<semaphore_mem>>) attributes {dimension_semantics = [#tpu.dimension_semantics<core_parallel>, #tpu.dimension_semantics<subcore_parallel>], iteration_bounds = array<i64: 2, 16>, scalar_prefetch = 0 : i64, scratch_operands = 16 : i64, tpu.core_type = #tpu.core_type<sc_vector_subcore>, window_params = [{transform_indices = #map}, {transform_indices = #map1}, {transform_indices = #map}]} {
    %mul3A = arith.constant 2 : i32
    %mul3A_0 = arith.muli %arg1, %mul3A : i32
    %add3A = arith.addi %mul3A_0, %arg0 : i32
    %mul3A_1 = arith.constant 6400 : i32
    %mul3A_2 = arith.muli %add3A, %mul3A_1 : i32
    "tpu.region"() ({
      %run_scoped3A = tpu.sem_alloc : memref<!tpu.dma_semaphore, #tpu.memory_space<semaphore_mem>>
      %dma_start3A_32 = tpu.memref_slice %arg3[%mul3A_2] : memref<204800xi32, #tpu.memory_space<hbm>> -> memref<6400xi32, #tpu.memory_space<hbm>>
      %dma_start3A_33 = tpu.memref_slice %arg3[%mul3A_2] : memref<204800xi32, #tpu.memory_space<hbm>> -> memref<6400xi32, #tpu.memory_space<hbm>>
      tpu.enqueue_dma source(%dma_start3A_33 : memref<6400xi32, #tpu.memory_space<hbm>>) target(%arg5 : memref<6400xi32, #tpu.memory_space<vmem>>) target_semaphore(%run_scoped3A : memref<!tpu.dma_semaphore, #tpu.memory_space<semaphore_mem>>)
      %dma_wait3A = tpu.memref_slice %arg3[%mul3A_2] : memref<204800xi32, #tpu.memory_space<hbm>> -> memref<6400xi32, #tpu.memory_space<hbm>>
      %dma_wait3A_34 = tpu.memref_slice %arg3[%mul3A_2] : memref<204800xi32, #tpu.memory_space<hbm>> -> memref<6400xi32, #tpu.memory_space<hbm>>
      tpu.wait_dma2 semaphore(%run_scoped3A : memref<!tpu.dma_semaphore, #tpu.memory_space<semaphore_mem>>) src(%dma_wait3A_34 : memref<6400xi32, #tpu.memory_space<hbm>>) dst(%arg5 : memref<6400xi32, #tpu.memory_space<vmem>>)
      tpu.yield
    }) : () -> ()
    %dma_start3A = arith.constant 0 : i32
    %dma_start3A_3 = tpu.memref_slice %arg5[%dma_start3A] : memref<6400xi32, #tpu.memory_space<vmem>> -> memref<128xi32, #tpu.memory_space<vmem>>
    %dma_start3A_4 = arith.constant 0 : i32
    %dma_start3A_5 = arith.constant 0 : i32
    %dma_start3A_6 = tpu.memref_slice %arg2[%dma_start3A_4, %dma_start3A_5] : memref<100000x128xf32, #tpu.memory_space<hbm>> -> memref<100000x128xf32, #tpu.memory_space<hbm>>
    tpu.enqueue_indirect_dma source(%dma_start3A_6 : memref<100000x128xf32, #tpu.memory_space<hbm>>) target(%arg6 : memref<128x128xf32, #tpu.memory_space<vmem>>) offsets(%dma_start3A_3 : memref<128xi32, #tpu.memory_space<vmem>>) semaphore(%arg11 : memref<!tpu.dma_semaphore, #tpu.memory_space<semaphore_mem>>)
    %dma_start3A_7 = arith.constant 128 : i32
    %dma_start3A_8 = tpu.memref_slice %arg5[%dma_start3A_7] : memref<6400xi32, #tpu.memory_space<vmem>> -> memref<128xi32, #tpu.memory_space<vmem>>
    %dma_start3A_9 = arith.constant 0 : i32
    %dma_start3A_10 = arith.constant 0 : i32
    %dma_start3A_11 = tpu.memref_slice %arg2[%dma_start3A_9, %dma_start3A_10] : memref<100000x128xf32, #tpu.memory_space<hbm>> -> memref<100000x128xf32, #tpu.memory_space<hbm>>
    tpu.enqueue_indirect_dma source(%dma_start3A_11 : memref<100000x128xf32, #tpu.memory_space<hbm>>) target(%arg7 : memref<128x128xf32, #tpu.memory_space<vmem>>) offsets(%dma_start3A_8 : memref<128xi32, #tpu.memory_space<vmem>>) semaphore(%arg12 : memref<!tpu.dma_semaphore, #tpu.memory_space<semaphore_mem>>)
    %dma_start3A_12 = arith.constant 256 : i32
    %dma_start3A_13 = tpu.memref_slice %arg5[%dma_start3A_12] : memref<6400xi32, #tpu.memory_space<vmem>> -> memref<128xi32, #tpu.memory_space<vmem>>
    %dma_start3A_14 = arith.constant 0 : i32
    %dma_start3A_15 = arith.constant 0 : i32
    %dma_start3A_16 = tpu.memref_slice %arg2[%dma_start3A_14, %dma_start3A_15] : memref<100000x128xf32, #tpu.memory_space<hbm>> -> memref<100000x128xf32, #tpu.memory_space<hbm>>
    tpu.enqueue_indirect_dma source(%dma_start3A_16 : memref<100000x128xf32, #tpu.memory_space<hbm>>) target(%arg8 : memref<128x128xf32, #tpu.memory_space<vmem>>) offsets(%dma_start3A_13 : memref<128xi32, #tpu.memory_space<vmem>>) semaphore(%arg13 : memref<!tpu.dma_semaphore, #tpu.memory_space<semaphore_mem>>)
    %dma_start3A_17 = arith.constant 384 : i32
    %dma_start3A_18 = tpu.memref_slice %arg5[%dma_start3A_17] : memref<6400xi32, #tpu.memory_space<vmem>> -> memref<128xi32, #tpu.memory_space<vmem>>
    %dma_start3A_19 = arith.constant 0 : i32
    %dma_start3A_20 = arith.constant 0 : i32
    %dma_start3A_21 = tpu.memref_slice %arg2[%dma_start3A_19, %dma_start3A_20] : memref<100000x128xf32, #tpu.memory_space<hbm>> -> memref<100000x128xf32, #tpu.memory_space<hbm>>
    tpu.enqueue_indirect_dma source(%dma_start3A_21 : memref<100000x128xf32, #tpu.memory_space<hbm>>) target(%arg9 : memref<128x128xf32, #tpu.memory_space<vmem>>) offsets(%dma_start3A_18 : memref<128xi32, #tpu.memory_space<vmem>>) semaphore(%arg14 : memref<!tpu.dma_semaphore, #tpu.memory_space<semaphore_mem>>)
    %dma_start3A_22 = arith.constant 512 : i32
    %dma_start3A_23 = tpu.memref_slice %arg5[%dma_start3A_22] : memref<6400xi32, #tpu.memory_space<vmem>> -> memref<128xi32, #tpu.memory_space<vmem>>
    %dma_start3A_24 = arith.constant 0 : i32
    %dma_start3A_25 = arith.constant 0 : i32
    %dma_start3A_26 = tpu.memref_slice %arg2[%dma_start3A_24, %dma_start3A_25] : memref<100000x128xf32, #tpu.memory_space<hbm>> -> memref<100000x128xf32, #tpu.memory_space<hbm>>
    tpu.enqueue_indirect_dma source(%dma_start3A_26 : memref<100000x128xf32, #tpu.memory_space<hbm>>) target(%arg10 : memref<128x128xf32, #tpu.memory_space<vmem>>) offsets(%dma_start3A_23 : memref<128xi32, #tpu.memory_space<vmem>>) semaphore(%arg15 : memref<!tpu.dma_semaphore, #tpu.memory_space<semaphore_mem>>)
    %scan3A = arith.constant 0 : i32
    %scan3A_27 = arith.constant 0 : i32
    %scan3A_28 = arith.constant 10 : i32
    %scan3A_29 = arith.addi %scan3A_27, %scan3A_28 : i32
    %scan3A_30 = arith.constant 1 : i32
    scf.for %scan3A_32 = %scan3A_27 to %scan3A_29 step %scan3A_30  : i32 {
      %mul3A_33 = arith.constant 5 : i32
      %mul3A_34 = arith.muli %scan3A_32, %mul3A_33 : i32
      %dma_wait3A = arith.constant 0 : i32
      %dma_wait3A_35 = tpu.memref_slice %arg5[%dma_wait3A] : memref<6400xi32, #tpu.memory_space<vmem>> -> memref<128xi32, #tpu.memory_space<vmem>>
      %dma_wait3A_36 = arith.constant 0 : i32
      %dma_wait3A_37 = arith.constant 0 : i32
      %dma_wait3A_38 = tpu.memref_slice %arg2[%dma_wait3A_36, %dma_wait3A_37] : memref<100000x128xf32, #tpu.memory_space<hbm>> -> memref<100000x128xf32, #tpu.memory_space<hbm>>
      tpu.wait_indirect_dma semaphore(%arg11 : memref<!tpu.dma_semaphore, #tpu.memory_space<semaphore_mem>>) src(%dma_wait3A_38 : memref<100000x128xf32, #tpu.memory_space<hbm>>) dst(%arg6 : memref<128x128xf32, #tpu.memory_space<vmem>>)
      %add3A_39 = arith.constant 0 : i32
      %add3A_40 = arith.addi %mul3A_34, %add3A_39 : i32
      %mul3A_41 = arith.constant 128 : i32
      %mul3A_42 = arith.muli %add3A_40, %mul3A_41 : i32
      %add3A_43 = arith.addi %mul3A_2, %mul3A_42 : i32
      %dma_start3A_44 = arith.constant 0 : i32
      %dma_start3A_45 = tpu.memref_slice %arg4[%add3A_43, %dma_start3A_44] : memref<204800x128xf32, #tpu.memory_space<hbm>> -> memref<128x128xf32, #tpu.memory_space<hbm>>
      %dma_start3A_46 = arith.constant 0 : i32
      %dma_start3A_47 = tpu.memref_slice %arg4[%add3A_43, %dma_start3A_46] : memref<204800x128xf32, #tpu.memory_space<hbm>> -> memref<128x128xf32, #tpu.memory_space<hbm>>
      tpu.enqueue_dma source(%arg6 : memref<128x128xf32, #tpu.memory_space<vmem>>) target(%dma_start3A_47 : memref<128x128xf32, #tpu.memory_space<hbm>>) target_semaphore(%arg16 : memref<!tpu.dma_semaphore, #tpu.memory_space<semaphore_mem>>)
      %dma_wait3A_48 = arith.constant 0 : i32
      %dma_wait3A_49 = tpu.memref_slice %arg5[%dma_wait3A_48] : memref<6400xi32, #tpu.memory_space<vmem>> -> memref<128xi32, #tpu.memory_space<vmem>>
      %dma_wait3A_50 = arith.constant 0 : i32
      %dma_wait3A_51 = arith.constant 0 : i32
      %dma_wait3A_52 = tpu.memref_slice %arg2[%dma_wait3A_50, %dma_wait3A_51] : memref<100000x128xf32, #tpu.memory_space<hbm>> -> memref<100000x128xf32, #tpu.memory_space<hbm>>
      tpu.wait_indirect_dma semaphore(%arg12 : memref<!tpu.dma_semaphore, #tpu.memory_space<semaphore_mem>>) src(%dma_wait3A_52 : memref<100000x128xf32, #tpu.memory_space<hbm>>) dst(%arg7 : memref<128x128xf32, #tpu.memory_space<vmem>>)
      %add3A_53 = arith.constant 1 : i32
      %add3A_54 = arith.addi %mul3A_34, %add3A_53 : i32
      %mul3A_55 = arith.constant 128 : i32
      %mul3A_56 = arith.muli %add3A_54, %mul3A_55 : i32
      %add3A_57 = arith.addi %mul3A_2, %mul3A_56 : i32
      %dma_start3A_58 = arith.constant 0 : i32
      %dma_start3A_59 = tpu.memref_slice %arg4[%add3A_57, %dma_start3A_58] : memref<204800x128xf32, #tpu.memory_space<hbm>> -> memref<128x128xf32, #tpu.memory_space<hbm>>
      %dma_start3A_60 = arith.constant 0 : i32
      %dma_start3A_61 = tpu.memref_slice %arg4[%add3A_57, %dma_start3A_60] : memref<204800x128xf32, #tpu.memory_space<hbm>> -> memref<128x128xf32, #tpu.memory_space<hbm>>
      tpu.enqueue_dma source(%arg7 : memref<128x128xf32, #tpu.memory_space<vmem>>) target(%dma_start3A_61 : memref<128x128xf32, #tpu.memory_space<hbm>>) target_semaphore(%arg17 : memref<!tpu.dma_semaphore, #tpu.memory_space<semaphore_mem>>)
      %dma_wait3A_62 = arith.constant 0 : i32
      %dma_wait3A_63 = tpu.memref_slice %arg5[%dma_wait3A_62] : memref<6400xi32, #tpu.memory_space<vmem>> -> memref<128xi32, #tpu.memory_space<vmem>>
      %dma_wait3A_64 = arith.constant 0 : i32
      %dma_wait3A_65 = arith.constant 0 : i32
      %dma_wait3A_66 = tpu.memref_slice %arg2[%dma_wait3A_64, %dma_wait3A_65] : memref<100000x128xf32, #tpu.memory_space<hbm>> -> memref<100000x128xf32, #tpu.memory_space<hbm>>
      tpu.wait_indirect_dma semaphore(%arg13 : memref<!tpu.dma_semaphore, #tpu.memory_space<semaphore_mem>>) src(%dma_wait3A_66 : memref<100000x128xf32, #tpu.memory_space<hbm>>) dst(%arg8 : memref<128x128xf32, #tpu.memory_space<vmem>>)
      %add3A_67 = arith.constant 2 : i32
      %add3A_68 = arith.addi %mul3A_34, %add3A_67 : i32
      %mul3A_69 = arith.constant 128 : i32
      %mul3A_70 = arith.muli %add3A_68, %mul3A_69 : i32
      %add3A_71 = arith.addi %mul3A_2, %mul3A_70 : i32
      %dma_start3A_72 = arith.constant 0 : i32
      %dma_start3A_73 = tpu.memref_slice %arg4[%add3A_71, %dma_start3A_72] : memref<204800x128xf32, #tpu.memory_space<hbm>> -> memref<128x128xf32, #tpu.memory_space<hbm>>
      %dma_start3A_74 = arith.constant 0 : i32
      %dma_start3A_75 = tpu.memref_slice %arg4[%add3A_71, %dma_start3A_74] : memref<204800x128xf32, #tpu.memory_space<hbm>> -> memref<128x128xf32, #tpu.memory_space<hbm>>
      tpu.enqueue_dma source(%arg8 : memref<128x128xf32, #tpu.memory_space<vmem>>) target(%dma_start3A_75 : memref<128x128xf32, #tpu.memory_space<hbm>>) target_semaphore(%arg18 : memref<!tpu.dma_semaphore, #tpu.memory_space<semaphore_mem>>)
      %dma_wait3A_76 = arith.constant 0 : i32
      %dma_wait3A_77 = tpu.memref_slice %arg5[%dma_wait3A_76] : memref<6400xi32, #tpu.memory_space<vmem>> -> memref<128xi32, #tpu.memory_space<vmem>>
      %dma_wait3A_78 = arith.constant 0 : i32
      %dma_wait3A_79 = arith.constant 0 : i32
      %dma_wait3A_80 = tpu.memref_slice %arg2[%dma_wait3A_78, %dma_wait3A_79] : memref<100000x128xf32, #tpu.memory_space<hbm>> -> memref<100000x128xf32, #tpu.memory_space<hbm>>
      tpu.wait_indirect_dma semaphore(%arg14 : memref<!tpu.dma_semaphore, #tpu.memory_space<semaphore_mem>>) src(%dma_wait3A_80 : memref<100000x128xf32, #tpu.memory_space<hbm>>) dst(%arg9 : memref<128x128xf32, #tpu.memory_space<vmem>>)
      %add3A_81 = arith.constant 3 : i32
      %add3A_82 = arith.addi %mul3A_34, %add3A_81 : i32
      %mul3A_83 = arith.constant 128 : i32
      %mul3A_84 = arith.muli %add3A_82, %mul3A_83 : i32
      %add3A_85 = arith.addi %mul3A_2, %mul3A_84 : i32
      %dma_start3A_86 = arith.constant 0 : i32
      %dma_start3A_87 = tpu.memref_slice %arg4[%add3A_85, %dma_start3A_86] : memref<204800x128xf32, #tpu.memory_space<hbm>> -> memref<128x128xf32, #tpu.memory_space<hbm>>
      %dma_start3A_88 = arith.constant 0 : i32
      %dma_start3A_89 = tpu.memref_slice %arg4[%add3A_85, %dma_start3A_88] : memref<204800x128xf32, #tpu.memory_space<hbm>> -> memref<128x128xf32, #tpu.memory_space<hbm>>
      tpu.enqueue_dma source(%arg9 : memref<128x128xf32, #tpu.memory_space<vmem>>) target(%dma_start3A_89 : memref<128x128xf32, #tpu.memory_space<hbm>>) target_semaphore(%arg19 : memref<!tpu.dma_semaphore, #tpu.memory_space<semaphore_mem>>)
      %dma_wait3A_90 = arith.constant 0 : i32
      %dma_wait3A_91 = tpu.memref_slice %arg5[%dma_wait3A_90] : memref<6400xi32, #tpu.memory_space<vmem>> -> memref<128xi32, #tpu.memory_space<vmem>>
      %dma_wait3A_92 = arith.constant 0 : i32
      %dma_wait3A_93 = arith.constant 0 : i32
      %dma_wait3A_94 = tpu.memref_slice %arg2[%dma_wait3A_92, %dma_wait3A_93] : memref<100000x128xf32, #tpu.memory_space<hbm>> -> memref<100000x128xf32, #tpu.memory_space<hbm>>
      tpu.wait_indirect_dma semaphore(%arg15 : memref<!tpu.dma_semaphore, #tpu.memory_space<semaphore_mem>>) src(%dma_wait3A_94 : memref<100000x128xf32, #tpu.memory_space<hbm>>) dst(%arg10 : memref<128x128xf32, #tpu.memory_space<vmem>>)
      %add3A_95 = arith.constant 4 : i32
      %add3A_96 = arith.addi %mul3A_34, %add3A_95 : i32
      %mul3A_97 = arith.constant 128 : i32
      %mul3A_98 = arith.muli %add3A_96, %mul3A_97 : i32
      %add3A_99 = arith.addi %mul3A_2, %mul3A_98 : i32
      %dma_start3A_100 = arith.constant 0 : i32
      %dma_start3A_101 = tpu.memref_slice %arg4[%add3A_99, %dma_start3A_100] : memref<204800x128xf32, #tpu.memory_space<hbm>> -> memref<128x128xf32, #tpu.memory_space<hbm>>
      %dma_start3A_102 = arith.constant 0 : i32
      %dma_start3A_103 = tpu.memref_slice %arg4[%add3A_99, %dma_start3A_102] : memref<204800x128xf32, #tpu.memory_space<hbm>> -> memref<128x128xf32, #tpu.memory_space<hbm>>
      tpu.enqueue_dma source(%arg10 : memref<128x128xf32, #tpu.memory_space<vmem>>) target(%dma_start3A_103 : memref<128x128xf32, #tpu.memory_space<hbm>>) target_semaphore(%arg20 : memref<!tpu.dma_semaphore, #tpu.memory_space<semaphore_mem>>)
      %dma_wait3A_104 = arith.constant 0 : i32
      %dma_wait3A_105 = tpu.memref_slice %arg5[%dma_wait3A_104] : memref<6400xi32, #tpu.memory_space<vmem>> -> memref<128xi32, #tpu.memory_space<vmem>>
      %dma_wait3A_106 = arith.constant 0 : i32
      %dma_wait3A_107 = arith.constant 0 : i32
      %dma_wait3A_108 = tpu.memref_slice %arg2[%dma_wait3A_106, %dma_wait3A_107] : memref<100000x128xf32, #tpu.memory_space<hbm>> -> memref<100000x128xf32, #tpu.memory_space<hbm>>
      tpu.wait_indirect_dma semaphore(%arg16 : memref<!tpu.dma_semaphore, #tpu.memory_space<semaphore_mem>>) src(%dma_wait3A_108 : memref<100000x128xf32, #tpu.memory_space<hbm>>) dst(%arg6 : memref<128x128xf32, #tpu.memory_space<vmem>>)
      %lt3A = arith.constant 9 : i32
      %lt3A_109 = arith.cmpi slt, %scan3A_32, %lt3A : i32
      %convert_element_type3A = arith.extui %lt3A_109 : i1 to i32
      %cond3A = arith.constant 0 : i32
      %cond3A_110 = arith.cmpi ne, %convert_element_type3A, %cond3A : i32
      scf.if %cond3A_110 {
        %add3A_151 = arith.constant 5 : i32
        %add3A_152 = arith.addi %mul3A_34, %add3A_151 : i32
        %add3A_153 = arith.constant 0 : i32
        %add3A_154 = arith.addi %add3A_152, %add3A_153 : i32
        %mul3A_155 = arith.constant 128 : i32
        %mul3A_156 = arith.muli %add3A_154, %mul3A_155 : i32
        %dma_start3A_157 = tpu.memref_slice %arg5[%mul3A_156] : memref<6400xi32, #tpu.memory_space<vmem>> -> memref<128xi32, #tpu.memory_space<vmem>>
        %dma_start3A_158 = arith.constant 0 : i32
        %dma_start3A_159 = arith.constant 0 : i32
        %dma_start3A_160 = tpu.memref_slice %arg2[%dma_start3A_158, %dma_start3A_159] : memref<100000x128xf32, #tpu.memory_space<hbm>> -> memref<100000x128xf32, #tpu.memory_space<hbm>>
        tpu.enqueue_indirect_dma source(%dma_start3A_160 : memref<100000x128xf32, #tpu.memory_space<hbm>>) target(%arg6 : memref<128x128xf32, #tpu.memory_space<vmem>>) offsets(%dma_start3A_157 : memref<128xi32, #tpu.memory_space<vmem>>) semaphore(%arg11 : memref<!tpu.dma_semaphore, #tpu.memory_space<semaphore_mem>>)
      } else {
      }
      %dma_wait3A_111 = arith.constant 0 : i32
      %dma_wait3A_112 = tpu.memref_slice %arg5[%dma_wait3A_111] : memref<6400xi32, #tpu.memory_space<vmem>> -> memref<128xi32, #tpu.memory_space<vmem>>
      %dma_wait3A_113 = arith.constant 0 : i32
      %dma_wait3A_114 = arith.constant 0 : i32
      %dma_wait3A_115 = tpu.memref_slice %arg2[%dma_wait3A_113, %dma_wait3A_114] : memref<100000x128xf32, #tpu.memory_space<hbm>> -> memref<100000x128xf32, #tpu.memory_space<hbm>>
      tpu.wait_indirect_dma semaphore(%arg17 : memref<!tpu.dma_semaphore, #tpu.memory_space<semaphore_mem>>) src(%dma_wait3A_115 : memref<100000x128xf32, #tpu.memory_space<hbm>>) dst(%arg7 : memref<128x128xf32, #tpu.memory_space<vmem>>)
      %lt3A_116 = arith.constant 9 : i32
      %lt3A_117 = arith.cmpi slt, %scan3A_32, %lt3A_116 : i32
      %convert_element_type3A_118 = arith.extui %lt3A_117 : i1 to i32
      %cond3A_119 = arith.constant 0 : i32
      %cond3A_120 = arith.cmpi ne, %convert_element_type3A_118, %cond3A_119 : i32
      scf.if %cond3A_120 {
        %add3A_151 = arith.constant 5 : i32
        %add3A_152 = arith.addi %mul3A_34, %add3A_151 : i32
        %add3A_153 = arith.constant 1 : i32
        %add3A_154 = arith.addi %add3A_152, %add3A_153 : i32
        %mul3A_155 = arith.constant 128 : i32
        %mul3A_156 = arith.muli %add3A_154, %mul3A_155 : i32
        %dma_start3A_157 = tpu.memref_slice %arg5[%mul3A_156] : memref<6400xi32, #tpu.memory_space<vmem>> -> memref<128xi32, #tpu.memory_space<vmem>>
        %dma_start3A_158 = arith.constant 0 : i32
        %dma_start3A_159 = arith.constant 0 : i32
        %dma_start3A_160 = tpu.memref_slice %arg2[%dma_start3A_158, %dma_start3A_159] : memref<100000x128xf32, #tpu.memory_space<hbm>> -> memref<100000x128xf32, #tpu.memory_space<hbm>>
        tpu.enqueue_indirect_dma source(%dma_start3A_160 : memref<100000x128xf32, #tpu.memory_space<hbm>>) target(%arg7 : memref<128x128xf32, #tpu.memory_space<vmem>>) offsets(%dma_start3A_157 : memref<128xi32, #tpu.memory_space<vmem>>) semaphore(%arg12 : memref<!tpu.dma_semaphore, #tpu.memory_space<semaphore_mem>>)
      } else {
      }
      %dma_wait3A_121 = arith.constant 0 : i32
      %dma_wait3A_122 = tpu.memref_slice %arg5[%dma_wait3A_121] : memref<6400xi32, #tpu.memory_space<vmem>> -> memref<128xi32, #tpu.memory_space<vmem>>
      %dma_wait3A_123 = arith.constant 0 : i32
      %dma_wait3A_124 = arith.constant 0 : i32
      %dma_wait3A_125 = tpu.memref_slice %arg2[%dma_wait3A_123, %dma_wait3A_124] : memref<100000x128xf32, #tpu.memory_space<hbm>> -> memref<100000x128xf32, #tpu.memory_space<hbm>>
      tpu.wait_indirect_dma semaphore(%arg18 : memref<!tpu.dma_semaphore, #tpu.memory_space<semaphore_mem>>) src(%dma_wait3A_125 : memref<100000x128xf32, #tpu.memory_space<hbm>>) dst(%arg8 : memref<128x128xf32, #tpu.memory_space<vmem>>)
      %lt3A_126 = arith.constant 9 : i32
      %lt3A_127 = arith.cmpi slt, %scan3A_32, %lt3A_126 : i32
      %convert_element_type3A_128 = arith.extui %lt3A_127 : i1 to i32
      %cond3A_129 = arith.constant 0 : i32
      %cond3A_130 = arith.cmpi ne, %convert_element_type3A_128, %cond3A_129 : i32
      scf.if %cond3A_130 {
        %add3A_151 = arith.constant 5 : i32
        %add3A_152 = arith.addi %mul3A_34, %add3A_151 : i32
        %add3A_153 = arith.constant 2 : i32
        %add3A_154 = arith.addi %add3A_152, %add3A_153 : i32
        %mul3A_155 = arith.constant 128 : i32
        %mul3A_156 = arith.muli %add3A_154, %mul3A_155 : i32
        %dma_start3A_157 = tpu.memref_slice %arg5[%mul3A_156] : memref<6400xi32, #tpu.memory_space<vmem>> -> memref<128xi32, #tpu.memory_space<vmem>>
        %dma_start3A_158 = arith.constant 0 : i32
        %dma_start3A_159 = arith.constant 0 : i32
        %dma_start3A_160 = tpu.memref_slice %arg2[%dma_start3A_158, %dma_start3A_159] : memref<100000x128xf32, #tpu.memory_space<hbm>> -> memref<100000x128xf32, #tpu.memory_space<hbm>>
        tpu.enqueue_indirect_dma source(%dma_start3A_160 : memref<100000x128xf32, #tpu.memory_space<hbm>>) target(%arg8 : memref<128x128xf32, #tpu.memory_space<vmem>>) offsets(%dma_start3A_157 : memref<128xi32, #tpu.memory_space<vmem>>) semaphore(%arg13 : memref<!tpu.dma_semaphore, #tpu.memory_space<semaphore_mem>>)
      } else {
      }
      %dma_wait3A_131 = arith.constant 0 : i32
      %dma_wait3A_132 = tpu.memref_slice %arg5[%dma_wait3A_131] : memref<6400xi32, #tpu.memory_space<vmem>> -> memref<128xi32, #tpu.memory_space<vmem>>
      %dma_wait3A_133 = arith.constant 0 : i32
      %dma_wait3A_134 = arith.constant 0 : i32
      %dma_wait3A_135 = tpu.memref_slice %arg2[%dma_wait3A_133, %dma_wait3A_134] : memref<100000x128xf32, #tpu.memory_space<hbm>> -> memref<100000x128xf32, #tpu.memory_space<hbm>>
      tpu.wait_indirect_dma semaphore(%arg19 : memref<!tpu.dma_semaphore, #tpu.memory_space<semaphore_mem>>) src(%dma_wait3A_135 : memref<100000x128xf32, #tpu.memory_space<hbm>>) dst(%arg9 : memref<128x128xf32, #tpu.memory_space<vmem>>)
      %lt3A_136 = arith.constant 9 : i32
      %lt3A_137 = arith.cmpi slt, %scan3A_32, %lt3A_136 : i32
      %convert_element_type3A_138 = arith.extui %lt3A_137 : i1 to i32
      %cond3A_139 = arith.constant 0 : i32
      %cond3A_140 = arith.cmpi ne, %convert_element_type3A_138, %cond3A_139 : i32
      scf.if %cond3A_140 {
        %add3A_151 = arith.constant 5 : i32
        %add3A_152 = arith.addi %mul3A_34, %add3A_151 : i32
        %add3A_153 = arith.constant 3 : i32
        %add3A_154 = arith.addi %add3A_152, %add3A_153 : i32
        %mul3A_155 = arith.constant 128 : i32
        %mul3A_156 = arith.muli %add3A_154, %mul3A_155 : i32
        %dma_start3A_157 = tpu.memref_slice %arg5[%mul3A_156] : memref<6400xi32, #tpu.memory_space<vmem>> -> memref<128xi32, #tpu.memory_space<vmem>>
        %dma_start3A_158 = arith.constant 0 : i32
        %dma_start3A_159 = arith.constant 0 : i32
        %dma_start3A_160 = tpu.memref_slice %arg2[%dma_start3A_158, %dma_start3A_159] : memref<100000x128xf32, #tpu.memory_space<hbm>> -> memref<100000x128xf32, #tpu.memory_space<hbm>>
        tpu.enqueue_indirect_dma source(%dma_start3A_160 : memref<100000x128xf32, #tpu.memory_space<hbm>>) target(%arg9 : memref<128x128xf32, #tpu.memory_space<vmem>>) offsets(%dma_start3A_157 : memref<128xi32, #tpu.memory_space<vmem>>) semaphore(%arg14 : memref<!tpu.dma_semaphore, #tpu.memory_space<semaphore_mem>>)
      } else {
      }
      %dma_wait3A_141 = arith.constant 0 : i32
      %dma_wait3A_142 = tpu.memref_slice %arg5[%dma_wait3A_141] : memref<6400xi32, #tpu.memory_space<vmem>> -> memref<128xi32, #tpu.memory_space<vmem>>
      %dma_wait3A_143 = arith.constant 0 : i32
      %dma_wait3A_144 = arith.constant 0 : i32
      %dma_wait3A_145 = tpu.memref_slice %arg2[%dma_wait3A_143, %dma_wait3A_144] : memref<100000x128xf32, #tpu.memory_space<hbm>> -> memref<100000x128xf32, #tpu.memory_space<hbm>>
      tpu.wait_indirect_dma semaphore(%arg20 : memref<!tpu.dma_semaphore, #tpu.memory_space<semaphore_mem>>) src(%dma_wait3A_145 : memref<100000x128xf32, #tpu.memory_space<hbm>>) dst(%arg10 : memref<128x128xf32, #tpu.memory_space<vmem>>)
      %lt3A_146 = arith.constant 9 : i32
      %lt3A_147 = arith.cmpi slt, %scan3A_32, %lt3A_146 : i32
      %convert_element_type3A_148 = arith.extui %lt3A_147 : i1 to i32
      %cond3A_149 = arith.constant 0 : i32
      %cond3A_150 = arith.cmpi ne, %convert_element_type3A_148, %cond3A_149 : i32
      scf.if %cond3A_150 {
        %add3A_151 = arith.constant 5 : i32
        %add3A_152 = arith.addi %mul3A_34, %add3A_151 : i32
        %add3A_153 = arith.constant 4 : i32
        %add3A_154 = arith.addi %add3A_152, %add3A_153 : i32
        %mul3A_155 = arith.constant 128 : i32
        %mul3A_156 = arith.muli %add3A_154, %mul3A_155 : i32
        %dma_start3A_157 = tpu.memref_slice %arg5[%mul3A_156] : memref<6400xi32, #tpu.memory_space<vmem>> -> memref<128xi32, #tpu.memory_space<vmem>>
        %dma_start3A_158 = arith.constant 0 : i32
        %dma_start3A_159 = arith.constant 0 : i32
        %dma_start3A_160 = tpu.memref_slice %arg2[%dma_start3A_158, %dma_start3A_159] : memref<100000x128xf32, #tpu.memory_space<hbm>> -> memref<100000x128xf32, #tpu.memory_space<hbm>>
        tpu.enqueue_indirect_dma source(%dma_start3A_160 : memref<100000x128xf32, #tpu.memory_space<hbm>>) target(%arg10 : memref<128x128xf32, #tpu.memory_space<vmem>>) offsets(%dma_start3A_157 : memref<128xi32, #tpu.memory_space<vmem>>) semaphore(%arg15 : memref<!tpu.dma_semaphore, #tpu.memory_space<semaphore_mem>>)
      } else {
      }
    }
    %scan3A_31 = arith.constant 10 : i32
    return
  }
}

module attributes {stable_mosaic.version = 14 : i64} {
  func.func @_fuse_body(%arg0: i32, %arg1: memref<50x32xf32, #tpu.memory_space<vmem>>, %arg2: memref<32x128xf32, #tpu.memory_space<vmem>>, %arg3: memref<10x32xf32, #tpu.memory_space<vmem>>, %arg4: memref<32x128xf32, #tpu.memory_space<vmem>>, %arg5: memref<1x128xf32, #tpu.memory_space<vmem>>, %arg6: memref<1x128xf32, #tpu.memory_space<vmem>>, %arg7: memref<4000x128xf32, #tpu.memory_space<vmem>>, %arg8: memref<1x1x4000xi32, #tpu.memory_space<vmem>>, %arg9: memref<1x1x4000xi32, #tpu.memory_space<vmem>>, %arg10: memref<4000x128xf32, #tpu.memory_space<vmem>>, %arg11: memref<50x128xbf16, #tpu.memory_space<vmem>>, %arg12: memref<10x128xbf16, #tpu.memory_space<vmem>>) attributes {dimension_semantics = [#tpu.dimension_semantics<arbitrary>], iteration_bounds = array<i64: 25>, scalar_prefetch = 0 : i64, scratch_operands = 2 : i64, tpu.core_type = #tpu.core_type<tc>, window_params = [{pipeline_mode = #tpu.pipeline_mode<synchronous>, transform_indices = @transform_0, window_bounds = array<i64: 50, 32>}, {pipeline_mode = #tpu.pipeline_mode<synchronous>, transform_indices = @transform_1, window_bounds = array<i64: 32, 128>}, {pipeline_mode = #tpu.pipeline_mode<synchronous>, transform_indices = @transform_2, window_bounds = array<i64: 10, 32>}, {pipeline_mode = #tpu.pipeline_mode<synchronous>, transform_indices = @transform_3, window_bounds = array<i64: 32, 128>}, {pipeline_mode = #tpu.pipeline_mode<synchronous>, transform_indices = @transform_4, window_bounds = array<i64: 1, 128>}, {pipeline_mode = #tpu.pipeline_mode<synchronous>, transform_indices = @transform_5, window_bounds = array<i64: 1, 128>}, {transform_indices = @transform_6, window_bounds = array<i64: 4000, 128>}, {transform_indices = @transform_7, window_bounds = array<i64: 1, 1, 4000>}, {transform_indices = @transform_8, window_bounds = array<i64: 1, 1, 4000>}, {transform_indices = @transform_9, window_bounds = array<i64: 4000, 128>}]} {
    %eq3A = arith.constant 0 : i32
    %eq3A_0 = arith.cmpi eq, %arg0, %eq3A : i32
    %convert_element_type3A = arith.extui %eq3A_0 : i1 to i32
    %cond3A = arith.constant 0 : i32
    %cond3A_1 = arith.cmpi ne, %convert_element_type3A, %cond3A : i32
    scf.if %cond3A_1 {
      %get3A_66 = arith.constant 0 : index
      %get3A_67 = arith.constant 0 : index
      %get3A_68 = vector.load %arg1[%get3A_66, %get3A_67] : memref<50x32xf32, #tpu.memory_space<vmem>>, vector<50x32xf32>
      %get3A_69 = arith.constant 0 : index
      %get3A_70 = arith.constant 0 : index
      %get3A_71 = vector.load %arg2[%get3A_69, %get3A_70] : memref<32x128xf32, #tpu.memory_space<vmem>>, vector<32x128xf32>
      %dot_general3A_72 = arith.constant dense<0.000000e+00> : vector<50x128xf32>
      %dot_general3A_73 = tpu.matmul %get3A_68, %get3A_71, %dot_general3A_72 {dimension_numbers = #tpu.dot_dimension_numbers<[1], [0], [0], [1], [0, 0, 1, 1], [], []>, transpose_lhs_hint = false} : vector<50x32xf32>, vector<32x128xf32>, vector<50x128xf32> -> vector<50x128xf32>
      %mul3A_74 = arith.constant 3.000000e-01 : f32
      %mul3A_75 = vector.broadcast %mul3A_74 : f32 to vector<50x128xf32>
      %mul3A_76 = arith.mulf %dot_general3A_73, %mul3A_75 : vector<50x128xf32>
      %convert_element_type3A_77 = arith.truncf %mul3A_76 : vector<50x128xf32> to vector<50x128xbf16>
      %swap3A_78 = arith.constant 0 : index
      %swap3A_79 = arith.constant 0 : index
      %swap3A_80 = vector.load %arg11[%swap3A_78, %swap3A_79] : memref<50x128xbf16, #tpu.memory_space<vmem>>, vector<50x128xbf16>
      tpu.vector_store %arg11[%swap3A_78, %swap3A_79], %convert_element_type3A_77 {strides = array<i32>} : memref<50x128xbf16, #tpu.memory_space<vmem>>, vector<50x128xbf16>,
      %get3A_81 = arith.constant 0 : index
      %get3A_82 = arith.constant 0 : index
      %get3A_83 = vector.load %arg3[%get3A_81, %get3A_82] : memref<10x32xf32, #tpu.memory_space<vmem>>, vector<10x32xf32>
      %get3A_84 = arith.constant 0 : index
      %get3A_85 = arith.constant 0 : index
      %get3A_86 = vector.load %arg4[%get3A_84, %get3A_85] : memref<32x128xf32, #tpu.memory_space<vmem>>, vector<32x128xf32>
      %dot_general3A_87 = arith.constant dense<0.000000e+00> : vector<10x128xf32>
      %dot_general3A_88 = tpu.matmul %get3A_83, %get3A_86, %dot_general3A_87 {dimension_numbers = #tpu.dot_dimension_numbers<[1], [0], [0], [1], [0, 0, 1, 1], [], []>, transpose_lhs_hint = false} : vector<10x32xf32>, vector<32x128xf32>, vector<10x128xf32> -> vector<10x128xf32>
      %mul3A_89 = arith.constant 2.000000e-01 : f32
      %mul3A_90 = vector.broadcast %mul3A_89 : f32 to vector<10x128xf32>
      %mul3A_91 = arith.mulf %dot_general3A_88, %mul3A_90 : vector<10x128xf32>
      %convert_element_type3A_92 = arith.truncf %mul3A_91 : vector<10x128xf32> to vector<10x128xbf16>
      %swap3A_93 = arith.constant 0 : index
      %swap3A_94 = arith.constant 0 : index
      %swap3A_95 = vector.load %arg12[%swap3A_93, %swap3A_94] : memref<10x128xbf16, #tpu.memory_space<vmem>>, vector<10x128xbf16>
      tpu.vector_store %arg12[%swap3A_93, %swap3A_94], %convert_element_type3A_92 {strides = array<i32>} : memref<10x128xbf16, #tpu.memory_space<vmem>>, vector<10x128xbf16>,
    } else {
    }
    %get3A = arith.constant 0 : index
    %get3A_2 = arith.constant 0 : index
    %get3A_3 = vector.load %arg11[%get3A, %get3A_2] : memref<50x128xbf16, #tpu.memory_space<vmem>>, vector<50x128xbf16>
    %get3A_4 = arith.constant 0 : index
    %get3A_5 = arith.constant 0 : index
    %get3A_6 = vector.load %arg12[%get3A_4, %get3A_5] : memref<10x128xbf16, #tpu.memory_space<vmem>>, vector<10x128xbf16>
    %get3A_7 = arith.constant 0 : index
    %get3A_8 = arith.constant 0 : index
    %get3A_9 = arith.constant 0 : index
    %get3A_10 = vector.load %arg8[%get3A_7, %get3A_8, %get3A_9] : memref<1x1x4000xi32, #tpu.memory_space<vmem>>, vector<1x1x4000xi32>
    %get3A_11 = vector.shape_cast %get3A_10 : vector<1x1x4000xi32> to vector<1x4000xi32>
    %convert_element_type3A_12 = arith.trunci %get3A_11 : vector<1x4000xi32> to vector<1x4000xi16>
    %get3A_13 = arith.constant 0 : index
    %get3A_14 = arith.constant 0 : index
    %get3A_15 = arith.constant 0 : index
    %get3A_16 = vector.load %arg9[%get3A_13, %get3A_14, %get3A_15] : memref<1x1x4000xi32, #tpu.memory_space<vmem>>, vector<1x1x4000xi32>
    %get3A_17 = vector.shape_cast %get3A_16 : vector<1x1x4000xi32> to vector<1x4000xi32>
    %convert_element_type3A_18 = arith.trunci %get3A_17 : vector<1x4000xi32> to vector<1x4000xi16>
    %iota3A = tpu.iota {dimensions = array<i32: 0>} : vector<50x4000xi16>
    %eq3A_19 = vector.broadcast %convert_element_type3A_12 : vector<1x4000xi16> to vector<50x4000xi16>
    %eq3A_20 = arith.cmpi eq, %eq3A_19, %iota3A : vector<50x4000xi16>
    %jit3A = arith.constant 1.000000e+00 : bf16
    %jit3A_21 = arith.constant 0.000000e+00 : bf16
    %broadcast_in_dim3A = vector.broadcast %jit3A : bf16 to vector<50x4000xbf16>
    %broadcast_in_dim3A_22 = vector.broadcast %jit3A_21 : bf16 to vector<50x4000xbf16>
    %select_n3A = arith.select %eq3A_20, %broadcast_in_dim3A, %broadcast_in_dim3A_22 : vector<50x4000xi1>, vector<50x4000xbf16>
    %iota3A_23 = tpu.iota {dimensions = array<i32: 0>} : vector<10x4000xi16>
    %eq3A_24 = vector.broadcast %convert_element_type3A_18 : vector<1x4000xi16> to vector<10x4000xi16>
    %eq3A_25 = arith.cmpi eq, %eq3A_24, %iota3A_23 : vector<10x4000xi16>
    %jit3A_26 = arith.constant 1.000000e+00 : bf16
    %jit3A_27 = arith.constant 0.000000e+00 : bf16
    %broadcast_in_dim3A_28 = vector.broadcast %jit3A_26 : bf16 to vector<10x4000xbf16>
    %broadcast_in_dim3A_29 = vector.broadcast %jit3A_27 : bf16 to vector<10x4000xbf16>
    %select_n3A_30 = arith.select %eq3A_25, %broadcast_in_dim3A_28, %broadcast_in_dim3A_29 : vector<10x4000xi1>, vector<10x4000xbf16>
    %dot_general3A = arith.constant dense<0.000000e+00> : vector<4000x128xf32>
    %dot_general3A_31 = tpu.matmul %select_n3A, %get3A_3, %dot_general3A {dimension_numbers = #tpu.dot_dimension_numbers<[0], [0], [1], [1], [0, 1, 1, 1], [], []>, transpose_lhs_hint = false} : vector<50x4000xbf16>, vector<50x128xbf16>, vector<4000x128xf32> -> vector<4000x128xf32>
    %dot_general3A_32 = arith.constant dense<0.000000e+00> : vector<4000x128xf32>
    %dot_general3A_33 = tpu.matmul %select_n3A_30, %get3A_6, %dot_general3A_32 {dimension_numbers = #tpu.dot_dimension_numbers<[0], [0], [1], [1], [0, 1, 1, 1], [], []>, transpose_lhs_hint = false} : vector<10x4000xbf16>, vector<10x128xbf16>, vector<4000x128xf32> -> vector<4000x128xf32>
    %get3A_34 = arith.constant 0 : index
    %get3A_35 = arith.constant 0 : index
    %get3A_36 = vector.load %arg7[%get3A_34, %get3A_35] : memref<4000x128xf32, #tpu.memory_space<vmem>>, vector<4000x128xf32>
    %add3A = arith.addf %get3A_36, %dot_general3A_31 : vector<4000x128xf32>
    %add3A_37 = arith.addf %add3A, %dot_general3A_33 : vector<4000x128xf32>
    %reduce_sum3A = arith.constant dense<0.000000e+00> : vector<4000xf32>
    %reduce_sum3A_38 = vector.multi_reduction <add>, %add3A_37, %reduce_sum3A [1] : vector<4000x128xf32> to vector<4000xf32>
    %broadcast_in_dim3A_39 = vector.shape_cast %reduce_sum3A_38 : vector<4000xf32> to vector<4000x1xf32>
    %div3A = arith.constant 1.280000e+02 : f32
    %div3A_40 = vector.broadcast %div3A : f32 to vector<4000x1xf32>
    %div3A_41 = arith.divf %broadcast_in_dim3A_39, %div3A_40 : vector<4000x1xf32>
    %sub3A = vector.broadcast %div3A_41 : vector<4000x1xf32> to vector<4000x128xf32>
    %sub3A_42 = arith.subf %add3A_37, %sub3A : vector<4000x128xf32>
    %mul3A = arith.mulf %sub3A_42, %sub3A_42 : vector<4000x128xf32>
    %reduce_sum3A_43 = arith.constant dense<0.000000e+00> : vector<4000xf32>
    %reduce_sum3A_44 = vector.multi_reduction <add>, %mul3A, %reduce_sum3A_43 [1] : vector<4000x128xf32> to vector<4000xf32>
    %broadcast_in_dim3A_45 = vector.shape_cast %reduce_sum3A_44 : vector<4000xf32> to vector<4000x1xf32>
    %div3A_46 = arith.constant 1.280000e+02 : f32
    %div3A_47 = vector.broadcast %div3A_46 : f32 to vector<4000x1xf32>
    %div3A_48 = arith.divf %broadcast_in_dim3A_45, %div3A_47 : vector<4000x1xf32>
    %add3A_49 = arith.constant 9.99999974E-6 : f32
    %add3A_50 = vector.broadcast %add3A_49 : f32 to vector<4000x1xf32>
    %add3A_51 = arith.addf %div3A_48, %add3A_50 : vector<4000x1xf32>
    %rsqrt3A = math.rsqrt %add3A_51 : vector<4000x1xf32>
    %mul3A_52 = vector.broadcast %rsqrt3A : vector<4000x1xf32> to vector<4000x128xf32>
    %mul3A_53 = arith.mulf %sub3A_42, %mul3A_52 : vector<4000x128xf32>
    %get3A_54 = arith.constant 0 : index
    %get3A_55 = arith.constant 0 : index
    %get3A_56 = vector.load %arg5[%get3A_54, %get3A_55] : memref<1x128xf32, #tpu.memory_space<vmem>>, vector<1x128xf32>
    %mul3A_57 = vector.broadcast %get3A_56 : vector<1x128xf32> to vector<4000x128xf32>
    %mul3A_58 = arith.mulf %mul3A_53, %mul3A_57 : vector<4000x128xf32>
    %get3A_59 = arith.constant 0 : index
    %get3A_60 = arith.constant 0 : index
    %get3A_61 = vector.load %arg6[%get3A_59, %get3A_60] : memref<1x128xf32, #tpu.memory_space<vmem>>, vector<1x128xf32>
    %add3A_62 = vector.broadcast %get3A_61 : vector<1x128xf32> to vector<4000x128xf32>
    %add3A_63 = arith.addf %mul3A_58, %add3A_62 : vector<4000x128xf32>
    %swap3A = arith.constant 0 : index
    %swap3A_64 = arith.constant 0 : index
    %swap3A_65 = vector.load %arg10[%swap3A, %swap3A_64] : memref<4000x128xf32, #tpu.memory_space<vmem>>, vector<4000x128xf32>
    tpu.vector_store %arg10[%swap3A, %swap3A_64], %add3A_63 {strides = array<i32>} : memref<4000x128xf32, #tpu.memory_space<vmem>>, vector<4000x128xf32>,
    return
  }
  func.func @transform_0(%arg0: i32) -> (i32, i32) {
    %c0_i32 = arith.constant 0 : i32
    %c0_i32_0 = arith.constant 0 : i32
    %c0_i32_1 = arith.constant 0 : i32
    return %c0_i32, %c0_i32_0 : i32, i32
  }
  func.func @transform_1(%arg0: i32) -> (i32, i32) {
    %c0_i32 = arith.constant 0 : i32
    %c0_i32_0 = arith.constant 0 : i32
    %c0_i32_1 = arith.constant 0 : i32
    return %c0_i32, %c0_i32_0 : i32, i32
  }
  func.func @transform_2(%arg0: i32) -> (i32, i32) {
    %c0_i32 = arith.constant 0 : i32
    %c0_i32_0 = arith.constant 0 : i32
    %c0_i32_1 = arith.constant 0 : i32
    return %c0_i32, %c0_i32_0 : i32, i32
  }
  func.func @transform_3(%arg0: i32) -> (i32, i32) {
    %c0_i32 = arith.constant 0 : i32
    %c0_i32_0 = arith.constant 0 : i32
    %c0_i32_1 = arith.constant 0 : i32
    return %c0_i32, %c0_i32_0 : i32, i32
  }
  func.func @transform_4(%arg0: i32) -> (i32, i32) {
    %c0_i32 = arith.constant 0 : i32
    %c0_i32_0 = arith.constant 0 : i32
    %c0_i32_1 = arith.constant 0 : i32
    return %c0_i32, %c0_i32_0 : i32, i32
  }
  func.func @transform_5(%arg0: i32) -> (i32, i32) {
    %c0_i32 = arith.constant 0 : i32
    %c0_i32_0 = arith.constant 0 : i32
    %c0_i32_1 = arith.constant 0 : i32
    return %c0_i32, %c0_i32_0 : i32, i32
  }
  func.func @transform_6(%arg0: i32) -> (i32, i32) {
    %c0_i32 = arith.constant 0 : i32
    %c0_i32_0 = arith.constant 0 : i32
    return %arg0, %c0_i32 : i32, i32
  }
  func.func @transform_7(%arg0: i32) -> (i32, i32, i32) {
    %c0_i32 = arith.constant 0 : i32
    %c0_i32_0 = arith.constant 0 : i32
    %c0_i32_1 = arith.constant 0 : i32
    return %arg0, %c0_i32, %c0_i32_0 : i32, i32, i32
  }
  func.func @transform_8(%arg0: i32) -> (i32, i32, i32) {
    %c0_i32 = arith.constant 0 : i32
    %c0_i32_0 = arith.constant 0 : i32
    %c0_i32_1 = arith.constant 0 : i32
    return %arg0, %c0_i32, %c0_i32_0 : i32, i32, i32
  }
  func.func @transform_9(%arg0: i32) -> (i32, i32) {
    %c0_i32 = arith.constant 0 : i32
    %c0_i32_0 = arith.constant 0 : i32
    return %arg0, %c0_i32 : i32, i32
  }
}

</mosaic_0001>

<sc_bundles>
// kernel: kernel.4.cloned.1.call-start
scs
__scs_entry_jumppad:
0x0: {  	(pc) =	sbr.rel $0x88, $3  }
0x1: {  	(tag) =	ssettag $0x0;
	lr =	simm.s32 $0x1  }
0x2: {  	[smem:$0x3F97] =	sst lr;
	_ =	strace $0xD0000000  }
0x3: {  	_ = 	snop  }
0x4: {  	_ = 	snop  }
0x5: {  	_ = 	snop  }
0x6: {  	_ = 	snop  }
0x7: {  	_ = 	snop  }
__scs_overlays_trampoline_lowered:
0x8: {  	[smem:$0x3FA6] =	sst s0  }
0x9: {  	[smem:$0x3FA7] =	sst s1  }
0xa: {  	[smem:$0x3FA8] =	sst s2  }
0xb: {  	[smem:$0x3FA9] =	sst s3  }
0xc: {  	[smem:$0x3FAA] =	sst s4  }
0xd: {  	[smem:$0x3FAB] =	sst s5  }
0xe: {  	[smem:$0x3FAC] =	sst s6  }
0xf: {  	[smem:$0x3FAD] =	sst s7  }
0x10: {  	[smem:$0x3FAE] =	sst s8  }
0x11: {  	[smem:$0x3FAF] =	sst s9;
	s0 =	simm.s32 @!p0 $0x0  }
0x12: {  	s1 =	sld [smem:$0x3F95];
	s0 =	simm.s32 @p0 $0x1  }
0x13: {  	[smem:$0x3FB0] =	sst s0;
	s0 =	simm.s32 @!p1 $0x0  }
0x14: {  	s2 =	sld [smem:$0x3F94];
	s0 =	simm.s32 @p1 $0x1  }
0x15: {  	[smem:$0x3FB1] =	sst s0;
	s0 =	simm.s32 @!p2 $0x0  }
0x16: {  	s3 =	sld [smem:$0x3FDB];
	s0 =	simm.s32 @p2 $0x1  }
0x17: {  	s4 =	simm.s32 $0x1BF5;
	[smem:$0x3FB3] =	sst s0  }
0x18: {  	s0 =	sld [smem:$0x3F96];
	_ =	swait.ge [sflag:s4], $0x0  }
0x19: {  	s7 =	sld [smem:$0x3F97]  }
0x1a: {  	s8 =	sadd.s32 $0xFFFFE003, lr  }
0x1b: {  	s9 =	sadd.s32 $0xFFFFFEF7, lr;
	s5 =	simm.s32 $0xFFFFFFFF;
	p2 =	slt.u32 s8, $0xFFFFF086  }
0x1c: {  	p1 =	slt.u32 s9, $0xF7A;
	s5 =	simm.s32 @!p2 $0x0  }
0x1d: {  	s5 =	simm.s32 @p1 $0x1;
	p0 =	seq.s32 s7, s2  }
0x1e: {  	s7 =	smul.u32 @!p0 $0xF7A, s2;
	p2 =	seq.s32 @!p0 s5, $0x0  }
0x1f: {  	s9 =	smul.u32 $0xF7A, s1;
	s8 =	simm.s32 @!p0 $0x1BF5;
	p2 =	por !p2, p0  }
0x20: {  	[sflag:s8] =	ssyncset.s32 @!p0 $0xFFFFF086;
	s6 =	sadd.s32 @!p0 s3, s7;
	s7 =	simm.s32 @!p0 $0x108  }
0x21: {  	s3 =	sadd.s32 s3, s9;
	s6 =	sadd.s32 @!p0 $0x88, s6;
	s7 =	simm.s32 @p2 $0x1082  }
0x22: {  	[simem:s7], [sflag:s8] =	dma.local @!p0 [hbm:s6], $0xF7A  }
0x23: {  	s9 =	sor.u32 $0xD0000000, s2;
	s6 =	simm.s32 $0x108;
	_ =	swait.ge @!p0 [sflag:s8], $0x0  }
0x24: {  	s3 =	sadd.s32 $0x88, s3;
	s6 =	simm.s32 @!p1 $0x1082;
	[sflag:s4] =	ssyncset.s32 $0xFFFFF086  }
0x25: {  	[simem:s6], [sflag:s4] =	dma.local [hbm:s3], $0xF7A  }
0x26: {  	[smem:$0x3F97] =	sst s1;
	(tag) =	ssettag s2;
	_ =	strace s9  }
0x27: {  	s1 =	sld [smem:$0x3FA7]  }
0x28: {  	s2 =	sld [smem:$0x3FA8]  }
0x29: {  	s4 =	sld [smem:$0x3FAA]  }
0x2a: {  	p0 =	seq.s32 s5, $0x0;
	s5 =	sld [smem:$0x3FAB]  }
0x2b: {  	s6 =	sld [smem:$0x3FAC]  }
0x2c: {  	s7 =	sld [smem:$0x3FAD]  }
0x2d: {  	s3 =	simm.s32 $0x108;
	s8 =	sld [smem:$0x3FAE]  }
0x2e: {  	s3 =	simm.s32 @!p0 $0x1082;
	s9 =	sld [smem:$0x3FAF]  }
0x2f: {  	lr =	sadd.s32 s0, s3;
	s0 =	sld [smem:$0x3FA6]  }
0x30: {  	s3 =	sld [smem:$0x3FA9]  }
0x31: {  	[smem:$0x3FB2] =	sst s10  }
0x32: {  	s10 =	sld [smem:$0x3FB0];
	_ =	sdelay $0x3  }
0x33: {  	p0 =	seq.s32 s10, $0x1;
	s10 =	sld [smem:$0x3FB2];
	_ =	sdelay $0x3  }
0x34: {  	[smem:$0x3FB2] =	sst s10  }
0x35: {  	s10 =	sld [smem:$0x3FB1];
	_ =	sdelay $0x3  }
0x36: {  	p1 =	seq.s32 s10, $0x1;
	s10 =	sld [smem:$0x3FB2];
	_ =	sdelay $0x3  }
0x37: {  	[smem:$0x3FB2] =	sst s10  }
0x38: {  	s10 =	sld [smem:$0x3FB3]  }
0x39: {  	_ = 	snop;
	(pc) =	sbr.ind lr, $3  }
0x3a: {  	_ = 	snop  }
0x3b: {  	_ = 	snop  }
0x3c: {  	p2 =	seq.s32 s10, $0x1;
	s10 =	sld [smem:$0x3FB2]  }
0x3d: {  	_ =	shalt  }
0x3e: {  	_ =	shalt  }
0x3f: {  	_ =	shalt  }
0x40: {  	_ =	shalt  }
0x41: {  	_ =	shalt  }
0x42: {  	_ =	shalt  }
0x43: {  	_ =	shalt  }
0x44: {  	_ =	shalt  }
0x45: {  	_ =	shalt  }
0x46: {  	_ =	shalt  }
0x47: {  	_ =	shalt  }
0x48: {  	_ =	shalt  }
0x49: {  	_ =	shalt  }
0x4a: {  	_ =	shalt  }
0x4b: {  	_ =	shalt  }
0x4c: {  	_ =	shalt  }
0x4d: {  	_ =	shalt  }
0x4e: {  	_ =	shalt  }
0x4f: {  	_ =	shalt  }
0x50: {  	_ =	shalt  }
0x51: {  	_ =	shalt  }
0x52: {  	_ =	shalt  }
0x53: {  	_ =	shalt  }
0x54: {  	_ =	shalt  }
0x55: {  	_ =	shalt  }
0x56: {  	_ =	shalt  }
0x57: {  	_ =	shalt  }
0x58: {  	_ =	shalt  }
0x59: {  	_ =	shalt  }
0x5a: {  	_ =	shalt  }
0x5b: {  	_ =	shalt  }
0x5c: {  	_ =	shalt  }
0x5d: {  	_ =	shalt  }
0x5e: {  	_ =	shalt  }
0x5f: {  	_ =	shalt  }
0x60: {  	_ =	shalt  }
0x61: {  	_ =	shalt  }
0x62: {  	_ =	shalt  }
0x63: {  	_ =	shalt  }
0x64: {  	_ =	shalt  }
0x65: {  	_ =	shalt  }
0x66: {  	_ =	shalt  }
0x67: {  	_ =	shalt  }
0x68: {  	_ =	shalt  }
0x69: {  	_ =	shalt  }
0x6a: {  	_ =	shalt  }
0x6b: {  	_ =	shalt  }
0x6c: {  	_ =	shalt  }
0x6d: {  	_ =	shalt  }
0x6e: {  	_ =	shalt  }
0x6f: {  	_ =	shalt  }
0x70: {  	_ =	shalt  }
0x71: {  	_ =	shalt  }
0x72: {  	_ =	shalt  }
0x73: {  	_ =	shalt  }
0x74: {  	_ =	shalt  }
0x75: {  	_ =	shalt  }
0x76: {  	_ =	shalt  }
0x77: {  	_ =	shalt  }
0x78: {  	_ =	shalt  }
0x79: {  	_ =	shalt  }
0x7a: {  	_ =	shalt  }
0x7b: {  	_ =	shalt  }
0x7c: {  	_ =	shalt  }
0x7d: {  	_ =	shalt  }
0x7e: {  	_ =	shalt  }
0x7f: {  	_ =	shalt  }
0x80: {  	_ =	shalt  }
0x81: {  	_ =	shalt  }
0x82: {  	_ =	shalt  }
0x83: {  	_ =	shalt  }
0x84: {  	_ =	shalt  }
0x85: {  	_ =	shalt  }
0x86: {  	_ =	shalt  }
0x87: {  	_ =	shalt  }
.Lfunc_end0:
.L_simem_size_0:
called_computation_lowered:
.L_overlay_start_0:
0x88: {  	s2 =	sld [smem:$0x3FD9]  }
0x89: {  	s3 =	sld [smem:$0x3FFE];
	_ =	sdelay $0x1  }
0x8a: {  	s1 =	srdreg.scid  }
0x8b: {  	s0 =	sand.u32 $0x1, s1  }
0x8c: {  	s17 =	sshll.u32 s0, $0xA;
	s2 =	sadd.s32 s3, s2  }
0x8d: {  	s2 =	sadd.s32 s2, s17  }
0x8e: {  	[smem:$0x3FBE] =	sst s2  }
0x8f: {  	_ = 	snop  }
0x90: {  	s2 =	sld [smem:$0x3FD0];
	(tm) =	ssettm $0x1  }
0x91: {  	s18 =	sld [smem:$0x3FFB];
	_ =	sdelay $0x3  }
0x92: {  	_ =	strace s18  }
0x93: {  	s3 =	sld [smem:$0x3FFC];
	_ =	sdelay $0x3  }
0x94: {  	_ =	strace s3  }
0x95: {  	s3 =	sld [smem:$0x3FFD];
	_ =	sdelay $0x3  }
0x96: {  	_ =	strace s3  }
0x97: {  	_ =	strace $0x8FFFFFFF  }
0x98: {  	s19 =	sld [smem:$0x3FDB];
	_ =	sdelay $0x1  }
0x99: {  	s4 =	simm.s32 $_scs_section_size  }
0x9a: {  	s5 =	simm.s32 $_size__tile_overlayer_lowered;
	s6 =	simm.s32 $_tile_overlayer_lowered  }
0x9b: {  	s22 =	simm.s32 $0x1BFF;
	s21 =	sshll.u32 s6, $0x1;
	s3 =	sadd.s32 s4, s19  }
0x9c: {  	s7 =	simm.s32 $0x0;
	s20 =	sshll.u32 s5, $0x1;
	s5 =	sadd.s32 s21, s3  }
0x9d: {  	[timem:s7], [sflag:s22] =	dma.local [hbm:s5], s20  }
0x9e: {  	_ =	swait.ge [sflag:s22], s20  }
0x9f: {  	s4 =	ssub.s32 $0x0, s20;
	[sflag:s22] =	ssyncset.done $0x0  }
0xa0: {  	[sflag:s22] =	ssyncadd.s32 s4;
	_ =	sdelay $0x1  }
0xa1: {  	s23 =	simm.s32 $0x1B8B  }
0xa2: {  	_ =	swait.ge [sflag:s23], $0x1  }
0xa3: {  	[sflag:s23] =	ssyncset.done $0x0  }
0xa4: {  	s25 =	simm.s32 $0x1B8E;
	s24 =	sld [smem:$0x3FFE];
	[sflag:s23] =	ssyncadd.s32 $0xFFFFFFFF  }
0xa5: {  	s26 =	simm.s32 $execute0_lowered;
	[smem:$0x3FD2] =	sst s25  }
0xa6: {  	s5 =	sshll.u32 s26, $0x1;
	_ =	strace $0x80000046;
	[dreg:$0x1] =	wrdreg $0xFFFFFFFF  }
0xa7: {  	s28 =	simm.s32 $_size_execute0_lowered;
	s3 =	sadd.s32 s3, s5;
	[dreg:$0x0] =	wrdreg $0x0  }
0xa8: {  	s5 =	sshll.u32 s28, $0x1;
	[dreg:$0x2] =	wrdreg s3  }
0xa9: {  	[dreg:$0x3] =	wrdreg s5  }
0xaa: {  	[dreg:$0x4] =	wrdreg $0xC0  }
0xab: {  	_ =	task [dreg:s7], $0x5FFFF  }
0xac: {  	[dreg:$0x1] =	wrdreg $0xFFFFFFFF  }
0xad: {  	[dreg:$0x0] =	wrdreg $0x60  }
0xae: {  	[dreg:$0x2] =	wrdreg s24  }
0xaf: {  	[dreg:$0x3] =	wrdreg s2  }
0xb0: {  	[dreg:$0x4] =	wrdreg $0x9  }
0xb1: {  	_ =	task.clear_ibuf [dreg:s7], $0x5FFFF;
	_ =	strace $0x90000046  }
0xb2: {  	s29 =	simm.s32 $0x9;
	_ =	strace $0x80000048  }
0xb3: {  	_ =	swait.ge [sflag:s29], $0x1  }
0xb4: {  	[sflag:s29] =	ssyncadd.s32 $0xFFFFFFFF  }
0xb5: {  	_ =	strace $0x90000048  }
0xb6: {  	_ =	sfence  }
0xb7: {  	s30 =	sld [smem:$0x0];
	_ =	sdelay $0x2  }
0xb8: {  	s31 =	sshll.u32 s1, $0xD;
	s1 =	sshrl.u32 s1, $0x2  }
0xb9: {  	s3 =	sand.u32 $0x4000, s31;
	s1 =	sadd.s32 s1, s30  }
0xba: {  	s0 =	sor.u32 s3, s0;
	s1 =	sshll.u32 s1, $0x11  }
0xbb: {  	s0 =	sor.u32 s1, s0  }
0xbc: {  	s0 =	sadd.s32 $0x8F2B, s0  }
0xbd: {  	[sflag:s0] =	ssyncadd.remote.s32 $0x1  }
0xbe: {  	_ =	sfence.sel $0xFFFF  }
0xbf: {  	[dreg:$0x0] =	wrdreg $0xFFFFFFFF;
	(pc) =	sbr.abs _section_cstart, $3  }
0xc0: {  	[dreg:$0x1] =	wrdreg $0xFFFFFFFF  }
0xc1: {  	_ =	task.clear_ibuf [dreg:s7], $0x2FFFF;
	_ =	strace $0x9FFFFFFF  }
0xc2: {  	(tm) =	ssettm $0x7FFFFFFF  }
0xc3: {  	_ =	shalt  }
tec
execute0_lowered:
.L_overlay_start_1:
0x0: {  	(tag) =	ssettag $0x1  }
0x1: {  	s4 =	rddreg [dreg:$0x0];
	s1 =	srdreg.scid  }
0x2: {  	s0 =	stileid.u32;
	s5 =	rddreg [dreg:$0x1]  }
0x3: {  	s2 =	simm.s32 $0x0;
	s11 =	simm.s32 $0x100;
	s12 =	simm.s32 $0x9900  }
0x4: {  	s13 =	simm.s32 $0x180;
	s14 =	simm.s32 $0xD900;
	s15 =	simm.s32 $0x200  }
0x5: {  	s16 =	simm.s32 $0x11900;
	s17 =	simm.s32 $0x1;
	s18 =	simm.s32 $0x2  }
0x6: {  	s19 =	simm.s32 $0x3;
	s20 =	simm.s32 $0x4;
	s21 =	simm.s32 $0x5  }
0x7: {  	s22 =	simm.s32 $0x6;
	s23 =	simm.s32 $0x7;
	s24 =	simm.s32 $0x8  }
0x8: {  	s25 =	simm.s32 $0x9;
	s26 =	simm.s32 $0xA;
	s6 =	sand.u32 $0x1, s1  }
0x9: {  	s3 =	sshll.u32 s0, $0x1;
	[smem:$0x7FF] =	sst s2;
	s8 =	smul.u32 $0x32000, s0  }
0xa: {  	s3 =	sor.u32 s6, s3;
	s9 =	ssub.s32 $0x2, s6;
	s6 =	smul.u32 $0x19000, s6  }
0xb: {  	s28 =	simm.s32 $0x0;
	_ =	strace $0x80000047;
	s7 =	smul.u32 $0x1900, s3  }
.Ltmp0:
0xc: {  	s3 =	sadd.s32 $0x7200, s4;
	s10 =	sshrl.u32 s9, $0x1;
	(pc) =	sbr.rel .LBB2_1-.Ltmp0, $4  }
0xd: {  	s5 =	sadd.s32 s8, s5;
	s8 =	simm.s32 $0x80;
	s31 =	ssub.s32 s9, s10  }
0xe: {  	s6 =	sadd.s32 s6, s5;
	s9 =	simm.s32 $0x1900;
	s7 =	sshrl.u32 s7, $0x3  }
0xf: {  	s10 =	simm.s32 $0x5900;
	s5 =	smax.u32 s31, $0x1;
	s4 =	sadd.s32 s7, s4  }
0x10: {  	s6 =	sadd.s32 $0x2000, s6;
	s7 =	simm.s32 $0xB;
	s4 =	sadd.s32 $0xE00, s4  }
.LBB2_4:
0x11: {  	_ =	swait.ge [sflag:s23], $0x4000  }
0x12: {  	[sflag:s23] =	ssyncset.done $0x0  }
0x13: {  	[sflag:s23] =	ssyncadd.s32 $0xFFFFC000  }
0x14: {  	_ =	swait.ge [sflag:s24], $0x4000  }
0x15: {  	[sflag:s24] =	ssyncset.done $0x0  }
0x16: {  	s28 =	sadd.s32 $0x1, s28;
	[sflag:s24] =	ssyncadd.s32 $0xFFFFC000  }
0x17: {  	p0 =	sne.s32 s28, s5;
	_ =	swait.ge [sflag:s25], $0x4000  }
.Ltmp1:
0x18: {  	[sflag:s25] =	ssyncset.done $0x0;
	(pc) =	sbr.rel @!p0 .LBB2_5-.Ltmp1, $4  }
0x19: {  	[sflag:s25] =	ssyncadd.s32 $0xFFFFC000  }
0x1a: {  	_ =	swait.ge [sflag:s26], $0x4000  }
0x1b: {  	[sflag:s26] =	ssyncset.done $0x0  }
0x1c: {  	[sflag:s26] =	ssyncadd.s32 $0xFFFFC000  }
.LBB2_1:
0x1d: {  	[tilespmem:s2], [sflag:$0xB] =	stream.linear.gather [hbm4b:s4+s2], $0x1900, $0x38;
	[tilespmem:$0x15900] =	vst v63  }
0x1e: {  	_ =	swait.ge [sflag:s7], $0x1900  }
0x1f: {  	[sflag:s7] =	ssyncset.done $0x0  }
0x20: {  	[sflag:s7] =	ssyncadd.s32 $0xFFFFE700  }
0x21: {  	[tilespmem:s9], [sflag:$0x1] =	stream.indirect.gather [hbm4b:s3+s8], $0x80, s2, s8, $0xb8;
	[tilespmem:$0x15900] =	vst v63  }
0x22: {  	_ = 	snop  }
0x23: {  	[tilespmem:s10], [sflag:$0x2] =	stream.indirect.gather [hbm4b:s3+s8], $0x80, s8, s8, $0xb8;
	[tilespmem:$0x15900] =	vst v63  }
0x24: {  	_ = 	snop  }
0x25: {  	[tilespmem:s12], [sflag:$0x3] =	stream.indirect.gather [hbm4b:s3+s8], $0x80, s11, s8, $0xb8;
	[tilespmem:$0x15900] =	vst v63  }
0x26: {  	_ = 	snop  }
0x27: {  	[tilespmem:s14], [sflag:$0x4] =	stream.indirect.gather [hbm4b:s3+s8], $0x80, s13, s8, $0xb8;
	[tilespmem:$0x15900] =	vst v63  }
0x28: {  	s29 =	smov.u32 s6;
	s30 =	simm.s32 $0x0  }
0x29: {  	[tilespmem:s16], [sflag:$0x5] =	stream.indirect.gather [hbm4b:s3+s8], $0x80, s15, s8, $0xb8;
	[tilespmem:$0x15900] =	vst v63  }
.LBB2_2:
0x2a: {  	_ =	swait.ge [sflag:s17], $0x4000  }
0x2b: {  	[sflag:s17] =	ssyncset.done $0x0  }
0x2c: {  	s31 =	sadd.s32 $0xFFFFE000, s29;
	[sflag:s17] =	ssyncadd.s32 $0xFFFFC000  }
0x2d: {  	[hbm4b:s31+s2] =	stream.linear.scatter [tilespmem:s9], [sflag:$0x6], $0x4000, $0x38;
	[tilespmem:$0x15900] =	vst v63  }
0x2e: {  	_ =	swait.ge [sflag:s18], $0x4000  }
0x2f: {  	[sflag:s18] =	ssyncset.done $0x0  }
0x30: {  	s1 =	sadd.s32 $0xFFFFE800, s29;
	[sflag:s18] =	ssyncadd.s32 $0xFFFFC000  }
0x31: {  	[hbm4b:s1+s2] =	stream.linear.scatter [tilespmem:s10], [sflag:$0x7], $0x4000, $0x38;
	[tilespmem:$0x15900] =	vst v63  }
0x32: {  	_ =	swait.ge [sflag:s19], $0x4000  }
0x33: {  	[sflag:s19] =	ssyncset.done $0x0  }
0x34: {  	s1 =	sadd.s32 $0xFFFFF000, s29;
	[sflag:s19] =	ssyncadd.s32 $0xFFFFC000  }
0x35: {  	[hbm4b:s1+s2] =	stream.linear.scatter [tilespmem:s12], [sflag:$0x8], $0x4000, $0x38;
	[tilespmem:$0x15900] =	vst v63  }
0x36: {  	_ =	swait.ge [sflag:s20], $0x4000  }
0x37: {  	[sflag:s20] =	ssyncset.done $0x0  }
0x38: {  	s1 =	sadd.s32 $0xFFFFF800, s29;
	[sflag:s20] =	ssyncadd.s32 $0xFFFFC000  }
0x39: {  	[hbm4b:s1+s2] =	stream.linear.scatter [tilespmem:s14], [sflag:$0x9], $0x4000, $0x38;
	[tilespmem:$0x15900] =	vst v63  }
0x3a: {  	_ =	swait.ge [sflag:s21], $0x4000  }
0x3b: {  	p0 =	seq.s32 s30, $0x5A00;
	[sflag:s21] =	ssyncset.done $0x0  }
.Ltmp2:
0x3c: {  	[sflag:s21] =	ssyncadd.s32 $0xFFFFC000;
	(pc) =	sbr.rel @p0 .LBB2_4-.Ltmp2, $4  }
0x3d: {  	[hbm4b:s29+s2] =	stream.linear.scatter [tilespmem:s16], [sflag:$0xA], $0x4000, $0x38;
	[tilespmem:$0x15900] =	vst v63  }
0x3e: {  	_ =	swait.ge [sflag:s22], $0x4000  }
0x3f: {  	[sflag:s22] =	ssyncset.done $0x0  }
0x40: {  	[sflag:s22] =	ssyncadd.s32 $0xFFFFC000  }
0x41: {  	s31 =	sshra.s32 s30, $0x2  }
0x42: {  	s1 =	sadd.s32 $0x280, s31  }
0x43: {  	[tilespmem:s9], [sflag:$0x1] =	stream.indirect.gather [hbm4b:s3+s8], $0x80, s1, s8, $0xb8;
	[tilespmem:$0x15900] =	vst v63  }
0x44: {  	_ =	swait.ge [sflag:s23], $0x4000  }
0x45: {  	[sflag:s23] =	ssyncset.done $0x0  }
0x46: {  	s1 =	sadd.s32 $0x300, s31;
	[sflag:s23] =	ssyncadd.s32 $0xFFFFC000  }
0x47: {  	[tilespmem:s10], [sflag:$0x2] =	stream.indirect.gather [hbm4b:s3+s8], $0x80, s1, s8, $0xb8;
	[tilespmem:$0x15900] =	vst v63  }
0x48: {  	_ =	swait.ge [sflag:s24], $0x4000  }
0x49: {  	[sflag:s24] =	ssyncset.done $0x0  }
0x4a: {  	s1 =	sadd.s32 $0x380, s31;
	[sflag:s24] =	ssyncadd.s32 $0xFFFFC000  }
0x4b: {  	[tilespmem:s12], [sflag:$0x3] =	stream.indirect.gather [hbm4b:s3+s8], $0x80, s1, s8, $0xb8;
	[tilespmem:$0x15900] =	vst v63  }
0x4c: {  	_ =	swait.ge [sflag:s25], $0x4000  }
0x4d: {  	[sflag:s25] =	ssyncset.done $0x0  }
0x4e: {  	s1 =	sadd.s32 $0x400, s31;
	[sflag:s25] =	ssyncadd.s32 $0xFFFFC000  }
0x4f: {  	[tilespmem:s14], [sflag:$0x4] =	stream.indirect.gather [hbm4b:s3+s8], $0x80, s1, s8, $0xb8;
	[tilespmem:$0x15900] =	vst v63  }
.Ltmp3:
0x50: {  	_ = 	snop;
	(pc) =	sbr.rel .LBB2_2-.Ltmp3, $4  }
0x51: {  	_ =	swait.ge [sflag:s26], $0x4000  }
0x52: {  	s30 =	sadd.s32 $0xA00, s30;
	[sflag:s26] =	ssyncset.done $0x0  }
0x53: {  	s29 =	sadd.s32 $0x2800, s29;
	s31 =	sadd.s32 $0x480, s31;
	[sflag:s26] =	ssyncadd.s32 $0xFFFFC000  }
0x54: {  	[tilespmem:s16], [sflag:$0x5] =	stream.indirect.gather [hbm4b:s3+s8], $0x80, s31, s8, $0xb8;
	[tilespmem:$0x15900] =	vst v63  }
.LBB2_5:
0x55: {  	_ =	sfence.sel $0x180000  }
0x56: {  	[bflag:$0x0] =	sbarrier.arrive $0xFFFF  }
0x57: {  	_ =	strace $0x90000047  }
0x58: {  	[bflag:$0x2] =	sbarrier.arrive $0xFFFF  }
0x59: {  	p0 =	sne.s32 s0, $0x0;
	s0 =	rddreg [dreg:$0x2]  }
0x5a: {  	s0 =	sadd.s32 @!p0 $0x100000, s0  }
0x5b: {  	[sflag:s0] =	ssyncadd.tile.s32 @!p0 $0x1;
	_ =	shalt  }
.Lfunc_end2:
_tile_overlayer_lowered:
.L_overlay_start_2:
0x5c: {  	(tag) =	ssettag $0x2  }
0x5d: {  	s0 =	rddreg [dreg:$0x0];
	s2 =	stileid.u32  }
0x5e: {  	s1 =	rddreg [dreg:$0x1];
	p0 =	sne.s32 s2, $0x0  }
0x5f: {  	s3 =	rddreg [dreg:$0x2];
	[bflag:$0x3] =	sbarrier.arrive $0xFFFF;
	s2 =	simm.s32 @!p0 $0x1C0B  }
0x60: {  	[timem:s3], [sflag:s2] =	dma.local @!p0 [hbm:s0], s1  }
0x61: {  	s0 =	simm.s32 @!p0 $0xB  }
0x62: {  	_ =	swait.ge @!p0 [sflag:s0], s1  }
0x63: {  	s1 =	ssub.s32 @!p0 $0x0, s1;
	[sflag:s0] =	ssyncset.done @!p0 $0x0  }
0x64: {  	[sflag:s0] =	ssyncadd.s32 @!p0 s1  }
0x65: {  	[bflag:$0x3] =	sbarrier.arrive $0xFFFF  }
0x66: {  	_ =	shalt  }

</sc_bundles>
